<compile_context>
chip_gen: v7x
topology: tpu7x:2x2x1
jax: 0.10.2.dev20260603
libtpu: 0.0.44.dev20260713+nightly
codegen_flags: <defaults>
</compile_context>

<pallas_src>
import functools

import jax
import jax.numpy as jnp
from jax import lax
from jax.experimental import pallas as pl
from jax.experimental.pallas import tpu as pltpu
from jax.experimental.pallas import tpu_sc as plsc

B = 16384
NUM = 13
F = 26
V = 100000
D = 32

NC = 2
NS = 16
NW = NC * NS

BQ = B // 4


def _sc_gather_t(table_t, cat_t):
    mesh = plsc.VectorSubcoreMesh(core_axis_name="c", subcore_axis_name="s")

    @functools.partial(
        pl.kernel,
        out_type=jax.ShapeDtypeStruct((F * D, B), jnp.float32),
        mesh=mesh,
        scratch_types=[
            pltpu.VMEM((V,), jnp.float32),
            pltpu.VMEM((B,), jnp.int32),
            pltpu.VMEM((BQ,), jnp.float32),
            pltpu.VMEM((BQ,), jnp.float32),
            pltpu.SemaphoreType.DMA,
            pltpu.SemaphoreType.DMA,
            pltpu.SemaphoreType.DMA,
        ],
        compiler_params=pltpu.CompilerParams(
            use_tc_tiling_on_sc=True, needs_layout_passes=False),
    )
    def gather_kernel(tab_hbm, cat_hbm, out_hbm, row_v, vidx_v,
                      stag0_v, stag1_v, sem_row, sem_idx, sem_out):
        wid = lax.axis_index("s") * NC + lax.axis_index("c")
        stag = (stag0_v, stag1_v)

        def field_body(f, _):
            r = f * D + wid
            row_cp = pltpu.async_copy(tab_hbm.at[r], row_v, sem_row)
            idx_cp = pltpu.async_copy(cat_hbm.at[f], vidx_v, sem_idx)
            idx_cp.wait()
            row_cp.wait()
            out_cps = []
            for q in range(4):
                stag_v = stag[q % 2]
                if len(out_cps) >= 2:
                    out_cps.pop(0).wait()

                @plsc.parallel_loop(0, BQ, step=16, unroll=8)
                def grp_body(i, stag_v=stag_v, qoff=q * BQ):
                    stag_v[pl.ds(i, 16)] = plsc.load_gather(
                        row_v, [vidx_v[pl.ds(qoff + i, 16)]])
                out_cps.append(pltpu.async_copy(
                    stag_v, out_hbm.at[r, pl.ds(q * BQ, BQ)], sem_out))
            for cp in out_cps:
                cp.wait()
            return _

        lax.fori_loop(0, F, field_body, None)

    return gather_kernel(table_t, cat_t)


_BM = 1024
_INV_SQRT = float(1.0 / (1.0 + 1e-5) ** 0.5)


def _mlp_kernel(num_ref, embt_ref, w1n_ref, w1e_ref, b1_ref, g1_ref, be1_ref,
                w2_ref, b2_ref, g2_ref, be2_ref, wp_ref, bp_ref, out_ref):
    x = jnp.dot(num_ref[...], w1n_ref[...], preferred_element_type=jnp.float32)
    x = x + lax.dot_general(embt_ref[...], w1e_ref[...],
                            (((0,), (0,)), ((), ())),
                            preferred_element_type=jnp.float32)
    x = (x + b1_ref[...]) * (g1_ref[...] * _INV_SQRT) + be1_ref[...]
    x = jnp.maximum(x, 0.0)
    x = jnp.dot(x, w2_ref[...], preferred_element_type=jnp.float32)
    x = (x + b2_ref[...]) * (g2_ref[...] * _INV_SQRT) + be2_ref[...]
    x = jnp.maximum(x, 0.0)
    x = jnp.dot(x, wp_ref[...], preferred_element_type=jnp.float32)
    out_ref[...] = x + bp_ref[...]


def _mlp(numerical, emb_t, W1, b1, g1, be1, W2, b2, g2, be2, Wp, bp):
    W1n = W1[:NUM]
    W1e = W1[NUM:]
    row = lambda v: v.reshape(1, -1)
    grid = (B // _BM,)
    full = lambda shape: pl.BlockSpec(shape, lambda i: (0, 0))
    return pl.pallas_call(
        _mlp_kernel,
        grid=grid,
        in_specs=[
            pl.BlockSpec((_BM, NUM), lambda i: (i, 0)),
            pl.BlockSpec((F * D, _BM), lambda i: (0, i)),
            full((NUM, 512)),
            full((F * D, 512)),
            full((1, 512)), full((1, 512)), full((1, 512)),
            full((512, 256)),
            full((1, 256)), full((1, 256)), full((1, 256)),
            full((256, 768)),
            full((1, 768)),
        ],
        out_specs=pl.BlockSpec((_BM, 768), lambda i: (i, 0)),
        out_shape=jax.ShapeDtypeStruct((B, 768), jnp.float32),
    )(numerical, emb_t, W1n, W1e, row(b1), row(g1), row(be1),
      W2, row(b2), row(g2), row(be2), Wp, row(bp))


def kernel(numerical_data, categorical_data, emb_tables, W1, b1, g1, be1,
           W2, b2, g2, be2, Wp, bp):
    table_t = emb_tables.transpose(0, 2, 1).reshape(F * D, V)
    cat_t = categorical_data.astype(jnp.int32).T
    emb_t = _sc_gather_t(table_t, cat_t)
    return _mlp(numerical_data, emb_t, W1, b1, g1, be1,
                W2, b2, g2, be2, Wp, bp)

# --- scband reference (transcript-rebuilt; emitter-appended) ---
"""Pipeline reference for scband-embedding-tabular-encoder-5351529250892 (READ-ONLY COPY).

The authoritative reference and input builder live on the scoring server;
editing this copy changes nothing except your own understanding.
"""

import jax, jax.numpy as jnp
import numpy as np

B = 16384
NUM = 13
F = 26
V = 100000
D = 32
IN_DIM = NUM + F * D  # 845


def setup_inputs(seed: int = 0) -> dict:
    key = jax.random.key(seed)
    ks = jax.random.split(key, 16)
    numerical_data = jax.random.normal(ks[0], (B, NUM), dtype=jnp.float32)
    categorical_data = jax.random.randint(ks[1], (B, F), 0, V)
    emb_tables = jax.random.normal(ks[2], (F, V, D), dtype=jnp.float32) * 0.02
    W1 = jax.random.normal(ks[3], (IN_DIM, 512), dtype=jnp.float32) * (1.0 / np.sqrt(IN_DIM))
    b1 = jnp.zeros((512,), dtype=jnp.float32)
    g1 = jnp.ones((512,), dtype=jnp.float32)
    be1 = jnp.zeros((512,), dtype=jnp.float32)
    W2 = jax.random.normal(ks[4], (512, 256), dtype=jnp.float32) * (1.0 / np.sqrt(512))
    b2 = jnp.zeros((256,), dtype=jnp.float32)
    g2 = jnp.ones((256,), dtype=jnp.float32)
    be2 = jnp.zeros((256,), dtype=jnp.float32)
    Wp = jax.random.normal(ks[5], (256, 768), dtype=jnp.float32) * (1.0 / np.sqrt(256))
    bp = jnp.zeros((768,), dtype=jnp.float32)
    return {
        'numerical_data': numerical_data,
        'categorical_data': categorical_data,
        'emb_tables': emb_tables,
        'W1': W1, 'b1': b1, 'g1': g1, 'be1': be1,
        'W2': W2, 'b2': b2, 'g2': g2, 'be2': be2,
        'Wp': Wp, 'bp': bp,
    }


def reference(numerical_data, categorical_data, emb_tables, W1, b1, g1, be1, W2, b2, g2, be2, Wp, bp):
    eps = 1e-5
    # per-field embedding lookup: emb_tables[f, categorical[:, f]] for each field f
    field_idx = jnp.arange(F)[None, :]  # [1, F]
    gathered = emb_tables[field_idx, categorical_data]  # [B, F, D]
    embedded_cat = gathered.reshape(numerical_data.shape[0], F * D)
    combined = jnp.concatenate([numerical_data, embedded_cat], axis=1)  # [B, 845]
    # layer 1: Linear -> BatchNorm (eval: running_mean=0, running_var=1) -> ReLU
    x = combined @ W1 + b1
    x = g1 * (x / jnp.sqrt(1.0 + eps)) + be1
    x = jax.nn.relu(x)
    # layer 2
    x = x @ W2 + b2
    x = g2 * (x / jnp.sqrt(1.0 + eps)) + be2
    x = jax.nn.relu(x)
    # feature projection
    features = x @ Wp + bp
    return features

if __name__ == "__main__":
    import jax
    _d = setup_inputs()
    print(jax.jit(kernel)(*tuple(_d.values())))

</pallas_src>

<mosaic_0001>
#map = affine_map<(d0, d1) -> (0, 0)>
module attributes {stable_mosaic.version = 14 : i64} {
  func.func @gather_kernel(%arg0: i32, %arg1: i32, %arg2: memref<832x100000xf32, #tpu.memory_space<hbm>>, %arg3: memref<26x16384xi32, #tpu.memory_space<hbm>>, %arg4: memref<832x16384xf32, #tpu.memory_space<hbm>>, %arg5: memref<100000xf32, #tpu.memory_space<vmem>>, %arg6: memref<16384xi32, #tpu.memory_space<vmem>>, %arg7: memref<4096xf32, #tpu.memory_space<vmem>>, %arg8: memref<4096xf32, #tpu.memory_space<vmem>>, %arg9: memref<!tpu.dma_semaphore, #tpu.memory_space<semaphore_mem>>, %arg10: memref<!tpu.dma_semaphore, #tpu.memory_space<semaphore_mem>>, %arg11: memref<!tpu.dma_semaphore, #tpu.memory_space<semaphore_mem>>) attributes {dimension_semantics = [#tpu.dimension_semantics<core_parallel>, #tpu.dimension_semantics<subcore_parallel>], iteration_bounds = array<i64: 2, 16>, scalar_prefetch = 0 : i64, scratch_operands = 7 : i64, tpu.core_type = #tpu.core_type<sc_vector_subcore>, window_params = [{transform_indices = #map}, {transform_indices = #map}, {transform_indices = #map}]} {
    %mul3A = arith.constant 2 : i32
    %mul3A_0 = arith.muli %arg1, %mul3A : i32
    %add3A = arith.addi %mul3A_0, %arg0 : i32
    %scan3A = arith.constant 0 : i32
    %scan3A_1 = arith.constant 26 : i32
    %scan3A_2 = arith.addi %scan3A, %scan3A_1 : i32
    %scan3A_3 = arith.constant 1 : i32
    scf.for %scan3A_5 = %scan3A to %scan3A_2 step %scan3A_3  : i32 {
      %mul3A_6 = arith.constant 32 : i32
      %mul3A_7 = arith.muli %scan3A_5, %mul3A_6 : i32
      %add3A_8 = arith.addi %mul3A_7, %add3A : i32
      %dma_start3A = arith.constant 0 : i32
      %dma_start3A_9 = tpu.memref_slice %arg2[%add3A_8, %dma_start3A] : memref<832x100000xf32, #tpu.memory_space<hbm>> -> memref<1x100000xf32, #tpu.memory_space<hbm>>
      %dma_start3A_10 = tpu.memref_squeeze %dma_start3A_9 : memref<1x100000xf32, #tpu.memory_space<hbm>> -> memref<100000xf32, #tpu.memory_space<hbm>>
      %dma_start3A_11 = arith.constant 0 : i32
      %dma_start3A_12 = tpu.memref_slice %arg2[%add3A_8, %dma_start3A_11] : memref<832x100000xf32, #tpu.memory_space<hbm>> -> memref<1x100000xf32, #tpu.memory_space<hbm>>
      %dma_start3A_13 = tpu.memref_squeeze %dma_start3A_12 : memref<1x100000xf32, #tpu.memory_space<hbm>> -> memref<100000xf32, #tpu.memory_space<hbm>>
      tpu.enqueue_dma source(%dma_start3A_13 : memref<100000xf32, #tpu.memory_space<hbm>>) target(%arg5 : memref<100000xf32, #tpu.memory_space<vmem>>) target_semaphore(%arg9 : memref<!tpu.dma_semaphore, #tpu.memory_space<semaphore_mem>>)
      %dma_start3A_14 = arith.constant 0 : i32
      %dma_start3A_15 = tpu.memref_slice %arg3[%scan3A_5, %dma_start3A_14] : memref<26x16384xi32, #tpu.memory_space<hbm>> -> memref<1x16384xi32, #tpu.memory_space<hbm>>
      %dma_start3A_16 = tpu.memref_squeeze %dma_start3A_15 : memref<1x16384xi32, #tpu.memory_space<hbm>> -> memref<16384xi32, #tpu.memory_space<hbm>>
      %dma_start3A_17 = arith.constant 0 : i32
      %dma_start3A_18 = tpu.memref_slice %arg3[%scan3A_5, %dma_start3A_17] : memref<26x16384xi32, #tpu.memory_space<hbm>> -> memref<1x16384xi32, #tpu.memory_space<hbm>>
      %dma_start3A_19 = tpu.memref_squeeze %dma_start3A_18 : memref<1x16384xi32, #tpu.memory_space<hbm>> -> memref<16384xi32, #tpu.memory_space<hbm>>
      tpu.enqueue_dma source(%dma_start3A_19 : memref<16384xi32, #tpu.memory_space<hbm>>) target(%arg6 : memref<16384xi32, #tpu.memory_space<vmem>>) target_semaphore(%arg10 : memref<!tpu.dma_semaphore, #tpu.memory_space<semaphore_mem>>)
      %dma_wait3A = arith.constant 0 : i32
      %dma_wait3A_20 = tpu.memref_slice %arg3[%scan3A_5, %dma_wait3A] : memref<26x16384xi32, #tpu.memory_space<hbm>> -> memref<1x16384xi32, #tpu.memory_space<hbm>>
      %dma_wait3A_21 = tpu.memref_squeeze %dma_wait3A_20 : memref<1x16384xi32, #tpu.memory_space<hbm>> -> memref<16384xi32, #tpu.memory_space<hbm>>
      %dma_wait3A_22 = arith.constant 0 : i32
      %dma_wait3A_23 = tpu.memref_slice %arg3[%scan3A_5, %dma_wait3A_22] : memref<26x16384xi32, #tpu.memory_space<hbm>> -> memref<1x16384xi32, #tpu.memory_space<hbm>>
      %dma_wait3A_24 = tpu.memref_squeeze %dma_wait3A_23 : memref<1x16384xi32, #tpu.memory_space<hbm>> -> memref<16384xi32, #tpu.memory_space<hbm>>
      tpu.wait_dma2 semaphore(%arg10 : memref<!tpu.dma_semaphore, #tpu.memory_space<semaphore_mem>>) src(%dma_wait3A_24 : memref<16384xi32, #tpu.memory_space<hbm>>) dst(%arg6 : memref<16384xi32, #tpu.memory_space<vmem>>)
      %dma_wait3A_25 = arith.constant 0 : i32
      %dma_wait3A_26 = tpu.memref_slice %arg2[%add3A_8, %dma_wait3A_25] : memref<832x100000xf32, #tpu.memory_space<hbm>> -> memref<1x100000xf32, #tpu.memory_space<hbm>>
      %dma_wait3A_27 = tpu.memref_squeeze %dma_wait3A_26 : memref<1x100000xf32, #tpu.memory_space<hbm>> -> memref<100000xf32, #tpu.memory_space<hbm>>
      %dma_wait3A_28 = arith.constant 0 : i32
      %dma_wait3A_29 = tpu.memref_slice %arg2[%add3A_8, %dma_wait3A_28] : memref<832x100000xf32, #tpu.memory_space<hbm>> -> memref<1x100000xf32, #tpu.memory_space<hbm>>
      %dma_wait3A_30 = tpu.memref_squeeze %dma_wait3A_29 : memref<1x100000xf32, #tpu.memory_space<hbm>> -> memref<100000xf32, #tpu.memory_space<hbm>>
      tpu.wait_dma2 semaphore(%arg9 : memref<!tpu.dma_semaphore, #tpu.memory_space<semaphore_mem>>) src(%dma_wait3A_30 : memref<100000xf32, #tpu.memory_space<hbm>>) dst(%arg5 : memref<100000xf32, #tpu.memory_space<vmem>>)
      %parallel_loop3A = arith.constant 0 : i32
      %parallel_loop3A_31 = arith.constant 4096 : i32
      %parallel_loop3A_32 = arith.constant 16 : i32
      scf.for %parallel_loop3A_90 = %parallel_loop3A to %parallel_loop3A_31 step %parallel_loop3A_32  : i32 {
        %parallel_loop3A_91 = arith.constant 0 : i32
        %parallel_loop3A_92 = arith.addi %parallel_loop3A_91, %parallel_loop3A_90 : i32
        %parallel_loop3A_93 = arith.index_cast %parallel_loop3A_92 : i32 to index
        %parallel_loop3A_94 = tpu.vector_load %arg6[%parallel_loop3A_93] {strides = array<i32>} : memref<16384xi32, #tpu.memory_space<vmem>>, vector<16xi32>,
        %parallel_loop3A_95 = tpu.vector_load_idx %arg5[%parallel_loop3A_94] : memref<100000xf32, #tpu.memory_space<vmem>>[vector<16xi32>], vector<16xf32>,
        %parallel_loop3A_96 = arith.index_cast %parallel_loop3A_90 : i32 to index
        %parallel_loop3A_97 = tpu.vector_load %arg7[%parallel_loop3A_96] {strides = array<i32>} : memref<4096xf32, #tpu.memory_space<vmem>>, vector<16xf32>,
        tpu.vector_store %arg7[%parallel_loop3A_96], %parallel_loop3A_95 {strides = array<i32>} : memref<4096xf32, #tpu.memory_space<vmem>>, vector<16xf32>,
      } {sc.loop_unroll_factor = 8 : i64, sc.parallel_access}
      %dma_start3A_33 = arith.constant 0 : i32
      %dma_start3A_34 = tpu.memref_slice %arg4[%add3A_8, %dma_start3A_33] : memref<832x16384xf32, #tpu.memory_space<hbm>> -> memref<1x4096xf32, #tpu.memory_space<hbm>>
      %dma_start3A_35 = tpu.memref_squeeze %dma_start3A_34 : memref<1x4096xf32, #tpu.memory_space<hbm>> -> memref<4096xf32, #tpu.memory_space<hbm>>
      %dma_start3A_36 = arith.constant 0 : i32
      %dma_start3A_37 = tpu.memref_slice %arg4[%add3A_8, %dma_start3A_36] : memref<832x16384xf32, #tpu.memory_space<hbm>> -> memref<1x4096xf32, #tpu.memory_space<hbm>>
      %dma_start3A_38 = tpu.memref_squeeze %dma_start3A_37 : memref<1x4096xf32, #tpu.memory_space<hbm>> -> memref<4096xf32, #tpu.memory_space<hbm>>
      tpu.enqueue_dma source(%arg7 : memref<4096xf32, #tpu.memory_space<vmem>>) target(%dma_start3A_38 : memref<4096xf32, #tpu.memory_space<hbm>>) target_semaphore(%arg11 : memref<!tpu.dma_semaphore, #tpu.memory_space<semaphore_mem>>)
      %parallel_loop3A_39 = arith.constant 0 : i32
      %parallel_loop3A_40 = arith.constant 4096 : i32
      %parallel_loop3A_41 = arith.constant 16 : i32
      scf.for %parallel_loop3A_90 = %parallel_loop3A_39 to %parallel_loop3A_40 step %parallel_loop3A_41  : i32 {
        %parallel_loop3A_91 = arith.constant 4096 : i32
        %parallel_loop3A_92 = arith.addi %parallel_loop3A_91, %parallel_loop3A_90 : i32
        %parallel_loop3A_93 = arith.index_cast %parallel_loop3A_92 : i32 to index
        %parallel_loop3A_94 = tpu.vector_load %arg6[%parallel_loop3A_93] {strides = array<i32>} : memref<16384xi32, #tpu.memory_space<vmem>>, vector<16xi32>,
        %parallel_loop3A_95 = tpu.vector_load_idx %arg5[%parallel_loop3A_94] : memref<100000xf32, #tpu.memory_space<vmem>>[vector<16xi32>], vector<16xf32>,
        %parallel_loop3A_96 = arith.index_cast %parallel_loop3A_90 : i32 to index
        %parallel_loop3A_97 = tpu.vector_load %arg8[%parallel_loop3A_96] {strides = array<i32>} : memref<4096xf32, #tpu.memory_space<vmem>>, vector<16xf32>,
        tpu.vector_store %arg8[%parallel_loop3A_96], %parallel_loop3A_95 {strides = array<i32>} : memref<4096xf32, #tpu.memory_space<vmem>>, vector<16xf32>,
      } {sc.loop_unroll_factor = 8 : i64, sc.parallel_access}
      %dma_start3A_42 = arith.constant 4096 : i32
      %dma_start3A_43 = tpu.memref_slice %arg4[%add3A_8, %dma_start3A_42] : memref<832x16384xf32, #tpu.memory_space<hbm>> -> memref<1x4096xf32, #tpu.memory_space<hbm>>
      %dma_start3A_44 = tpu.memref_squeeze %dma_start3A_43 : memref<1x4096xf32, #tpu.memory_space<hbm>> -> memref<4096xf32, #tpu.memory_space<hbm>>
      %dma_start3A_45 = arith.constant 4096 : i32
      %dma_start3A_46 = tpu.memref_slice %arg4[%add3A_8, %dma_start3A_45] : memref<832x16384xf32, #tpu.memory_space<hbm>> -> memref<1x4096xf32, #tpu.memory_space<hbm>>
      %dma_start3A_47 = tpu.memref_squeeze %dma_start3A_46 : memref<1x4096xf32, #tpu.memory_space<hbm>> -> memref<4096xf32, #tpu.memory_space<hbm>>
      tpu.enqueue_dma source(%arg8 : memref<4096xf32, #tpu.memory_space<vmem>>) target(%dma_start3A_47 : memref<4096xf32, #tpu.memory_space<hbm>>) target_semaphore(%arg11 : memref<!tpu.dma_semaphore, #tpu.memory_space<semaphore_mem>>)
      %dma_wait3A_48 = arith.constant 0 : i32
      %dma_wait3A_49 = tpu.memref_slice %arg4[%add3A_8, %dma_wait3A_48] : memref<832x16384xf32, #tpu.memory_space<hbm>> -> memref<1x4096xf32, #tpu.memory_space<hbm>>
      %dma_wait3A_50 = tpu.memref_squeeze %dma_wait3A_49 : memref<1x4096xf32, #tpu.memory_space<hbm>> -> memref<4096xf32, #tpu.memory_space<hbm>>
      %dma_wait3A_51 = arith.constant 0 : i32
      %dma_wait3A_52 = tpu.memref_slice %arg4[%add3A_8, %dma_wait3A_51] : memref<832x16384xf32, #tpu.memory_space<hbm>> -> memref<1x4096xf32, #tpu.memory_space<hbm>>
      %dma_wait3A_53 = tpu.memref_squeeze %dma_wait3A_52 : memref<1x4096xf32, #tpu.memory_space<hbm>> -> memref<4096xf32, #tpu.memory_space<hbm>>
      tpu.wait_dma2 semaphore(%arg11 : memref<!tpu.dma_semaphore, #tpu.memory_space<semaphore_mem>>) src(%arg7 : memref<4096xf32, #tpu.memory_space<vmem>>) dst(%dma_wait3A_53 : memref<4096xf32, #tpu.memory_space<hbm>>)
      %parallel_loop3A_54 = arith.constant 0 : i32
      %parallel_loop3A_55 = arith.constant 4096 : i32
      %parallel_loop3A_56 = arith.constant 16 : i32
      scf.for %parallel_loop3A_90 = %parallel_loop3A_54 to %parallel_loop3A_55 step %parallel_loop3A_56  : i32 {
        %parallel_loop3A_91 = arith.constant 8192 : i32
        %parallel_loop3A_92 = arith.addi %parallel_loop3A_91, %parallel_loop3A_90 : i32
        %parallel_loop3A_93 = arith.index_cast %parallel_loop3A_92 : i32 to index
        %parallel_loop3A_94 = tpu.vector_load %arg6[%parallel_loop3A_93] {strides = array<i32>} : memref<16384xi32, #tpu.memory_space<vmem>>, vector<16xi32>,
        %parallel_loop3A_95 = tpu.vector_load_idx %arg5[%parallel_loop3A_94] : memref<100000xf32, #tpu.memory_space<vmem>>[vector<16xi32>], vector<16xf32>,
        %parallel_loop3A_96 = arith.index_cast %parallel_loop3A_90 : i32 to index
        %parallel_loop3A_97 = tpu.vector_load %arg7[%parallel_loop3A_96] {strides = array<i32>} : memref<4096xf32, #tpu.memory_space<vmem>>, vector<16xf32>,
        tpu.vector_store %arg7[%parallel_loop3A_96], %parallel_loop3A_95 {strides = array<i32>} : memref<4096xf32, #tpu.memory_space<vmem>>, vector<16xf32>,
      } {sc.loop_unroll_factor = 8 : i64, sc.parallel_access}
      %dma_start3A_57 = arith.constant 8192 : i32
      %dma_start3A_58 = tpu.memref_slice %arg4[%add3A_8, %dma_start3A_57] : memref<832x16384xf32, #tpu.memory_space<hbm>> -> memref<1x4096xf32, #tpu.memory_space<hbm>>
      %dma_start3A_59 = tpu.memref_squeeze %dma_start3A_58 : memref<1x4096xf32, #tpu.memory_space<hbm>> -> memref<4096xf32, #tpu.memory_space<hbm>>
      %dma_start3A_60 = arith.constant 8192 : i32
      %dma_start3A_61 = tpu.memref_slice %arg4[%add3A_8, %dma_start3A_60] : memref<832x16384xf32, #tpu.memory_space<hbm>> -> memref<1x4096xf32, #tpu.memory_space<hbm>>
      %dma_start3A_62 = tpu.memref_squeeze %dma_start3A_61 : memref<1x4096xf32, #tpu.memory_space<hbm>> -> memref<4096xf32, #tpu.memory_space<hbm>>
      tpu.enqueue_dma source(%arg7 : memref<4096xf32, #tpu.memory_space<vmem>>) target(%dma_start3A_62 : memref<4096xf32, #tpu.memory_space<hbm>>) target_semaphore(%arg11 : memref<!tpu.dma_semaphore, #tpu.memory_space<semaphore_mem>>)
      %dma_wait3A_63 = arith.constant 4096 : i32
      %dma_wait3A_64 = tpu.memref_slice %arg4[%add3A_8, %dma_wait3A_63] : memref<832x16384xf32, #tpu.memory_space<hbm>> -> memref<1x4096xf32, #tpu.memory_space<hbm>>
      %dma_wait3A_65 = tpu.memref_squeeze %dma_wait3A_64 : memref<1x4096xf32, #tpu.memory_space<hbm>> -> memref<4096xf32, #tpu.memory_space<hbm>>
      %dma_wait3A_66 = arith.constant 4096 : i32
      %dma_wait3A_67 = tpu.memref_slice %arg4[%add3A_8, %dma_wait3A_66] : memref<832x16384xf32, #tpu.memory_space<hbm>> -> memref<1x4096xf32, #tpu.memory_space<hbm>>
      %dma_wait3A_68 = tpu.memref_squeeze %dma_wait3A_67 : memref<1x4096xf32, #tpu.memory_space<hbm>> -> memref<4096xf32, #tpu.memory_space<hbm>>
      tpu.wait_dma2 semaphore(%arg11 : memref<!tpu.dma_semaphore, #tpu.memory_space<semaphore_mem>>) src(%arg8 : memref<4096xf32, #tpu.memory_space<vmem>>) dst(%dma_wait3A_68 : memref<4096xf32, #tpu.memory_space<hbm>>)
      %parallel_loop3A_69 = arith.constant 0 : i32
      %parallel_loop3A_70 = arith.constant 4096 : i32
      %parallel_loop3A_71 = arith.constant 16 : i32
      scf.for %parallel_loop3A_90 = %parallel_loop3A_69 to %parallel_loop3A_70 step %parallel_loop3A_71  : i32 {
        %parallel_loop3A_91 = arith.constant 12288 : i32
        %parallel_loop3A_92 = arith.addi %parallel_loop3A_91, %parallel_loop3A_90 : i32
        %parallel_loop3A_93 = arith.index_cast %parallel_loop3A_92 : i32 to index
        %parallel_loop3A_94 = tpu.vector_load %arg6[%parallel_loop3A_93] {strides = array<i32>} : memref<16384xi32, #tpu.memory_space<vmem>>, vector<16xi32>,
        %parallel_loop3A_95 = tpu.vector_load_idx %arg5[%parallel_loop3A_94] : memref<100000xf32, #tpu.memory_space<vmem>>[vector<16xi32>], vector<16xf32>,
        %parallel_loop3A_96 = arith.index_cast %parallel_loop3A_90 : i32 to index
        %parallel_loop3A_97 = tpu.vector_load %arg8[%parallel_loop3A_96] {strides = array<i32>} : memref<4096xf32, #tpu.memory_space<vmem>>, vector<16xf32>,
        tpu.vector_store %arg8[%parallel_loop3A_96], %parallel_loop3A_95 {strides = array<i32>} : memref<4096xf32, #tpu.memory_space<vmem>>, vector<16xf32>,
      } {sc.loop_unroll_factor = 8 : i64, sc.parallel_access}
      %dma_start3A_72 = arith.constant 12288 : i32
      %dma_start3A_73 = tpu.memref_slice %arg4[%add3A_8, %dma_start3A_72] : memref<832x16384xf32, #tpu.memory_space<hbm>> -> memref<1x4096xf32, #tpu.memory_space<hbm>>
      %dma_start3A_74 = tpu.memref_squeeze %dma_start3A_73 : memref<1x4096xf32, #tpu.memory_space<hbm>> -> memref<4096xf32, #tpu.memory_space<hbm>>
      %dma_start3A_75 = arith.constant 12288 : i32
      %dma_start3A_76 = tpu.memref_slice %arg4[%add3A_8, %dma_start3A_75] : memref<832x16384xf32, #tpu.memory_space<hbm>> -> memref<1x4096xf32, #tpu.memory_space<hbm>>
      %dma_start3A_77 = tpu.memref_squeeze %dma_start3A_76 : memref<1x4096xf32, #tpu.memory_space<hbm>> -> memref<4096xf32, #tpu.memory_space<hbm>>
      tpu.enqueue_dma source(%arg8 : memref<4096xf32, #tpu.memory_space<vmem>>) target(%dma_start3A_77 : memref<4096xf32, #tpu.memory_space<hbm>>) target_semaphore(%arg11 : memref<!tpu.dma_semaphore, #tpu.memory_space<semaphore_mem>>)
      %dma_wait3A_78 = arith.constant 8192 : i32
      %dma_wait3A_79 = tpu.memref_slice %arg4[%add3A_8, %dma_wait3A_78] : memref<832x16384xf32, #tpu.memory_space<hbm>> -> memref<1x4096xf32, #tpu.memory_space<hbm>>
      %dma_wait3A_80 = tpu.memref_squeeze %dma_wait3A_79 : memref<1x4096xf32, #tpu.memory_space<hbm>> -> memref<4096xf32, #tpu.memory_space<hbm>>
      %dma_wait3A_81 = arith.constant 8192 : i32
      %dma_wait3A_82 = tpu.memref_slice %arg4[%add3A_8, %dma_wait3A_81] : memref<832x16384xf32, #tpu.memory_space<hbm>> -> memref<1x4096xf32, #tpu.memory_space<hbm>>
      %dma_wait3A_83 = tpu.memref_squeeze %dma_wait3A_82 : memref<1x4096xf32, #tpu.memory_space<hbm>> -> memref<4096xf32, #tpu.memory_space<hbm>>
      tpu.wait_dma2 semaphore(%arg11 : memref<!tpu.dma_semaphore, #tpu.memory_space<semaphore_mem>>) src(%arg7 : memref<4096xf32, #tpu.memory_space<vmem>>) dst(%dma_wait3A_83 : memref<4096xf32, #tpu.memory_space<hbm>>)
      %dma_wait3A_84 = arith.constant 12288 : i32
      %dma_wait3A_85 = tpu.memref_slice %arg4[%add3A_8, %dma_wait3A_84] : memref<832x16384xf32, #tpu.memory_space<hbm>> -> memref<1x4096xf32, #tpu.memory_space<hbm>>
      %dma_wait3A_86 = tpu.memref_squeeze %dma_wait3A_85 : memref<1x4096xf32, #tpu.memory_space<hbm>> -> memref<4096xf32, #tpu.memory_space<hbm>>
      %dma_wait3A_87 = arith.constant 12288 : i32
      %dma_wait3A_88 = tpu.memref_slice %arg4[%add3A_8, %dma_wait3A_87] : memref<832x16384xf32, #tpu.memory_space<hbm>> -> memref<1x4096xf32, #tpu.memory_space<hbm>>
      %dma_wait3A_89 = tpu.memref_squeeze %dma_wait3A_88 : memref<1x4096xf32, #tpu.memory_space<hbm>> -> memref<4096xf32, #tpu.memory_space<hbm>>
      tpu.wait_dma2 semaphore(%arg11 : memref<!tpu.dma_semaphore, #tpu.memory_space<semaphore_mem>>) src(%arg8 : memref<4096xf32, #tpu.memory_space<vmem>>) dst(%dma_wait3A_89 : memref<4096xf32, #tpu.memory_space<hbm>>)
    }
    %scan3A_4 = arith.constant 26 : i32
    return
  }
}

module attributes {stable_mosaic.version = 14 : i64} {
  func.func @_mlp_kernel(%arg0: i32, %arg1: memref<1024x13xf32, #tpu.memory_space<vmem>>, %arg2: memref<832x1024xf32, #tpu.memory_space<vmem>>, %arg3: memref<13x512xf32, #tpu.memory_space<vmem>>, %arg4: memref<832x512xf32, #tpu.memory_space<vmem>>, %arg5: memref<1x512xf32, #tpu.memory_space<vmem>>, %arg6: memref<1x512xf32, #tpu.memory_space<vmem>>, %arg7: memref<1x512xf32, #tpu.memory_space<vmem>>, %arg8: memref<512x256xf32, #tpu.memory_space<vmem>>, %arg9: memref<1x256xf32, #tpu.memory_space<vmem>>, %arg10: memref<1x256xf32, #tpu.memory_space<vmem>>, %arg11: memref<1x256xf32, #tpu.memory_space<vmem>>, %arg12: memref<256x768xf32, #tpu.memory_space<vmem>>, %arg13: memref<1x768xf32, #tpu.memory_space<vmem>>, %arg14: memref<1024x768xf32, #tpu.memory_space<vmem>>) attributes {dimension_semantics = [#tpu.dimension_semantics<arbitrary>], iteration_bounds = array<i64: 16>, scalar_prefetch = 0 : i64, scratch_operands = 0 : i64, tpu.core_type = #tpu.core_type<tc>, window_params = [{transform_indices = @transform_0, window_bounds = array<i64: 1024, 13>}, {transform_indices = @transform_1, window_bounds = array<i64: 832, 1024>}, {pipeline_mode = #tpu.pipeline_mode<synchronous>, transform_indices = @transform_2, window_bounds = array<i64: 13, 512>}, {pipeline_mode = #tpu.pipeline_mode<synchronous>, transform_indices = @transform_3, window_bounds = array<i64: 832, 512>}, {pipeline_mode = #tpu.pipeline_mode<synchronous>, transform_indices = @transform_4, window_bounds = array<i64: 1, 512>}, {pipeline_mode = #tpu.pipeline_mode<synchronous>, transform_indices = @transform_5, window_bounds = array<i64: 1, 512>}, {pipeline_mode = #tpu.pipeline_mode<synchronous>, transform_indices = @transform_6, window_bounds = array<i64: 1, 512>}, {pipeline_mode = #tpu.pipeline_mode<synchronous>, transform_indices = @transform_7, window_bounds = array<i64: 512, 256>}, {pipeline_mode = #tpu.pipeline_mode<synchronous>, transform_indices = @transform_8, window_bounds = array<i64: 1, 256>}, {pipeline_mode = #tpu.pipeline_mode<synchronous>, transform_indices = @transform_9, window_bounds = array<i64: 1, 256>}, {pipeline_mode = #tpu.pipeline_mode<synchronous>, transform_indices = @transform_10, window_bounds = array<i64: 1, 256>}, {pipeline_mode = #tpu.pipeline_mode<synchronous>, transform_indices = @transform_11, window_bounds = array<i64: 256, 768>}, {pipeline_mode = #tpu.pipeline_mode<synchronous>, transform_indices = @transform_12, window_bounds = array<i64: 1, 768>}, {transform_indices = @transform_13, window_bounds = array<i64: 1024, 768>}]} {
    %get3A = arith.constant 0 : index
    %get3A_0 = arith.constant 0 : index
    %get3A_1 = vector.load %arg1[%get3A, %get3A_0] : memref<1024x13xf32, #tpu.memory_space<vmem>>, vector<1024x13xf32>
    %get3A_2 = arith.constant 0 : index
    %get3A_3 = arith.constant 0 : index
    %get3A_4 = vector.load %arg3[%get3A_2, %get3A_3] : memref<13x512xf32, #tpu.memory_space<vmem>>, vector<13x512xf32>
    %dot_general3A = arith.constant dense<0.000000e+00> : vector<1024x512xf32>
    %dot_general3A_5 = tpu.matmul %get3A_1, %get3A_4, %dot_general3A {dimension_numbers = #tpu.dot_dimension_numbers<[1], [0], [0], [1], [0, 0, 1, 1], [], []>, transpose_lhs_hint = false} : vector<1024x13xf32>, vector<13x512xf32>, vector<1024x512xf32> -> vector<1024x512xf32>
    %get3A_6 = arith.constant 0 : index
    %get3A_7 = arith.constant 0 : index
    %get3A_8 = vector.load %arg2[%get3A_6, %get3A_7] : memref<832x1024xf32, #tpu.memory_space<vmem>>, vector<832x1024xf32>
    %get3A_9 = arith.constant 0 : index
    %get3A_10 = arith.constant 0 : index
    %get3A_11 = vector.load %arg4[%get3A_9, %get3A_10] : memref<832x512xf32, #tpu.memory_space<vmem>>, vector<832x512xf32>
    %dot_general3A_12 = arith.constant dense<0.000000e+00> : vector<1024x512xf32>
    %dot_general3A_13 = tpu.matmul %get3A_8, %get3A_11, %dot_general3A_12 {dimension_numbers = #tpu.dot_dimension_numbers<[0], [0], [1], [1], [0, 1, 1, 1], [], []>, transpose_lhs_hint = false} : vector<832x1024xf32>, vector<832x512xf32>, vector<1024x512xf32> -> vector<1024x512xf32>
    %add3A = arith.addf %dot_general3A_5, %dot_general3A_13 : vector<1024x512xf32>
    %get3A_14 = arith.constant 0 : index
    %get3A_15 = arith.constant 0 : index
    %get3A_16 = vector.load %arg5[%get3A_14, %get3A_15] : memref<1x512xf32, #tpu.memory_space<vmem>>, vector<1x512xf32>
    %add3A_17 = vector.broadcast %get3A_16 : vector<1x512xf32> to vector<1024x512xf32>
    %add3A_18 = arith.addf %add3A, %add3A_17 : vector<1024x512xf32>
    %get3A_19 = arith.constant 0 : index
    %get3A_20 = arith.constant 0 : index
    %get3A_21 = vector.load %arg6[%get3A_19, %get3A_20] : memref<1x512xf32, #tpu.memory_space<vmem>>, vector<1x512xf32>
    %mul3A = arith.constant 0.999994993 : f32
    %mul3A_22 = vector.broadcast %mul3A : f32 to vector<1x512xf32>
    %mul3A_23 = arith.mulf %get3A_21, %mul3A_22 : vector<1x512xf32>
    %mul3A_24 = vector.broadcast %mul3A_23 : vector<1x512xf32> to vector<1024x512xf32>
    %mul3A_25 = arith.mulf %add3A_18, %mul3A_24 : vector<1024x512xf32>
    %get3A_26 = arith.constant 0 : index
    %get3A_27 = arith.constant 0 : index
    %get3A_28 = vector.load %arg7[%get3A_26, %get3A_27] : memref<1x512xf32, #tpu.memory_space<vmem>>, vector<1x512xf32>
    %add3A_29 = vector.broadcast %get3A_28 : vector<1x512xf32> to vector<1024x512xf32>
    %add3A_30 = arith.addf %mul3A_25, %add3A_29 : vector<1024x512xf32>
    %max3A = arith.constant 0.000000e+00 : f32
    %max3A_31 = vector.broadcast %max3A : f32 to vector<1024x512xf32>
    %max3A_32 = arith.maximumf %add3A_30, %max3A_31 : vector<1024x512xf32>
    %get3A_33 = arith.constant 0 : index
    %get3A_34 = arith.constant 0 : index
    %get3A_35 = vector.load %arg8[%get3A_33, %get3A_34] : memref<512x256xf32, #tpu.memory_space<vmem>>, vector<512x256xf32>
    %dot_general3A_36 = arith.constant dense<0.000000e+00> : vector<1024x256xf32>
    %dot_general3A_37 = tpu.matmul %max3A_32, %get3A_35, %dot_general3A_36 {dimension_numbers = #tpu.dot_dimension_numbers<[1], [0], [0], [1], [0, 0, 1, 1], [], []>, transpose_lhs_hint = false} : vector<1024x512xf32>, vector<512x256xf32>, vector<1024x256xf32> -> vector<1024x256xf32>
    %get3A_38 = arith.constant 0 : index
    %get3A_39 = arith.constant 0 : index
    %get3A_40 = vector.load %arg9[%get3A_38, %get3A_39] : memref<1x256xf32, #tpu.memory_space<vmem>>, vector<1x256xf32>
    %add3A_41 = vector.broadcast %get3A_40 : vector<1x256xf32> to vector<1024x256xf32>
    %add3A_42 = arith.addf %dot_general3A_37, %add3A_41 : vector<1024x256xf32>
    %get3A_43 = arith.constant 0 : index
    %get3A_44 = arith.constant 0 : index
    %get3A_45 = vector.load %arg10[%get3A_43, %get3A_44] : memref<1x256xf32, #tpu.memory_space<vmem>>, vector<1x256xf32>
    %mul3A_46 = arith.constant 0.999994993 : f32
    %mul3A_47 = vector.broadcast %mul3A_46 : f32 to vector<1x256xf32>
    %mul3A_48 = arith.mulf %get3A_45, %mul3A_47 : vector<1x256xf32>
    %mul3A_49 = vector.broadcast %mul3A_48 : vector<1x256xf32> to vector<1024x256xf32>
    %mul3A_50 = arith.mulf %add3A_42, %mul3A_49 : vector<1024x256xf32>
    %get3A_51 = arith.constant 0 : index
    %get3A_52 = arith.constant 0 : index
    %get3A_53 = vector.load %arg11[%get3A_51, %get3A_52] : memref<1x256xf32, #tpu.memory_space<vmem>>, vector<1x256xf32>
    %add3A_54 = vector.broadcast %get3A_53 : vector<1x256xf32> to vector<1024x256xf32>
    %add3A_55 = arith.addf %mul3A_50, %add3A_54 : vector<1024x256xf32>
    %max3A_56 = arith.constant 0.000000e+00 : f32
    %max3A_57 = vector.broadcast %max3A_56 : f32 to vector<1024x256xf32>
    %max3A_58 = arith.maximumf %add3A_55, %max3A_57 : vector<1024x256xf32>
    %get3A_59 = arith.constant 0 : index
    %get3A_60 = arith.constant 0 : index
    %get3A_61 = vector.load %arg12[%get3A_59, %get3A_60] : memref<256x768xf32, #tpu.memory_space<vmem>>, vector<256x768xf32>
    %dot_general3A_62 = arith.constant dense<0.000000e+00> : vector<1024x768xf32>
    %dot_general3A_63 = tpu.matmul %max3A_58, %get3A_61, %dot_general3A_62 {dimension_numbers = #tpu.dot_dimension_numbers<[1], [0], [0], [1], [0, 0, 1, 1], [], []>, transpose_lhs_hint = false} : vector<1024x256xf32>, vector<256x768xf32>, vector<1024x768xf32> -> vector<1024x768xf32>
    %get3A_64 = arith.constant 0 : index
    %get3A_65 = arith.constant 0 : index
    %get3A_66 = vector.load %arg13[%get3A_64, %get3A_65] : memref<1x768xf32, #tpu.memory_space<vmem>>, vector<1x768xf32>
    %add3A_67 = vector.broadcast %get3A_66 : vector<1x768xf32> to vector<1024x768xf32>
    %add3A_68 = arith.addf %dot_general3A_63, %add3A_67 : vector<1024x768xf32>
    %swap3A = arith.constant 0 : index
    %swap3A_69 = arith.constant 0 : index
    %swap3A_70 = vector.load %arg14[%swap3A, %swap3A_69] : memref<1024x768xf32, #tpu.memory_space<vmem>>, vector<1024x768xf32>
    tpu.vector_store %arg14[%swap3A, %swap3A_69], %add3A_68 {strides = array<i32>} : memref<1024x768xf32, #tpu.memory_space<vmem>>, vector<1024x768xf32>,
    return
  }
  func.func @transform_0(%arg0: i32) -> (i32, i32) {
    %c0_i32 = arith.constant 0 : i32
    %c0_i32_0 = arith.constant 0 : i32
    return %arg0, %c0_i32 : i32, i32
  }
  func.func @transform_1(%arg0: i32) -> (i32, i32) {
    %c0_i32 = arith.constant 0 : i32
    %c0_i32_0 = arith.constant 0 : i32
    return %c0_i32, %arg0 : i32, i32
  }
  func.func @transform_2(%arg0: i32) -> (i32, i32) {
    %c0_i32 = arith.constant 0 : i32
    %c0_i32_0 = arith.constant 0 : i32
    %c0_i32_1 = arith.constant 0 : i32
    return %c0_i32, %c0_i32_0 : i32, i32
  }
  func.func @transform_3(%arg0: i32) -> (i32, i32) {
    %c0_i32 = arith.constant 0 : i32
    %c0_i32_0 = arith.constant 0 : i32
    %c0_i32_1 = arith.constant 0 : i32
    return %c0_i32, %c0_i32_0 : i32, i32
  }
  func.func @transform_4(%arg0: i32) -> (i32, i32) {
    %c0_i32 = arith.constant 0 : i32
    %c0_i32_0 = arith.constant 0 : i32
    %c0_i32_1 = arith.constant 0 : i32
    return %c0_i32, %c0_i32_0 : i32, i32
  }
  func.func @transform_5(%arg0: i32) -> (i32, i32) {
    %c0_i32 = arith.constant 0 : i32
    %c0_i32_0 = arith.constant 0 : i32
    %c0_i32_1 = arith.constant 0 : i32
    return %c0_i32, %c0_i32_0 : i32, i32
  }
  func.func @transform_6(%arg0: i32) -> (i32, i32) {
    %c0_i32 = arith.constant 0 : i32
    %c0_i32_0 = arith.constant 0 : i32
    %c0_i32_1 = arith.constant 0 : i32
    return %c0_i32, %c0_i32_0 : i32, i32
  }
  func.func @transform_7(%arg0: i32) -> (i32, i32) {
    %c0_i32 = arith.constant 0 : i32
    %c0_i32_0 = arith.constant 0 : i32
    %c0_i32_1 = arith.constant 0 : i32
    return %c0_i32, %c0_i32_0 : i32, i32
  }
  func.func @transform_8(%arg0: i32) -> (i32, i32) {
    %c0_i32 = arith.constant 0 : i32
    %c0_i32_0 = arith.constant 0 : i32
    %c0_i32_1 = arith.constant 0 : i32
    return %c0_i32, %c0_i32_0 : i32, i32
  }
  func.func @transform_9(%arg0: i32) -> (i32, i32) {
    %c0_i32 = arith.constant 0 : i32
    %c0_i32_0 = arith.constant 0 : i32
    %c0_i32_1 = arith.constant 0 : i32
    return %c0_i32, %c0_i32_0 : i32, i32
  }
  func.func @transform_10(%arg0: i32) -> (i32, i32) {
    %c0_i32 = arith.constant 0 : i32
    %c0_i32_0 = arith.constant 0 : i32
    %c0_i32_1 = arith.constant 0 : i32
    return %c0_i32, %c0_i32_0 : i32, i32
  }
  func.func @transform_11(%arg0: i32) -> (i32, i32) {
    %c0_i32 = arith.constant 0 : i32
    %c0_i32_0 = arith.constant 0 : i32
    %c0_i32_1 = arith.constant 0 : i32
    return %c0_i32, %c0_i32_0 : i32, i32
  }
  func.func @transform_12(%arg0: i32) -> (i32, i32) {
    %c0_i32 = arith.constant 0 : i32
    %c0_i32_0 = arith.constant 0 : i32
    %c0_i32_1 = arith.constant 0 : i32
    return %c0_i32, %c0_i32_0 : i32, i32
  }
  func.func @transform_13(%arg0: i32) -> (i32, i32) {
    %c0_i32 = arith.constant 0 : i32
    %c0_i32_0 = arith.constant 0 : i32
    return %arg0, %c0_i32 : i32, i32
  }
}

</mosaic_0001>

<sc_bundles>
// kernel: kernel.4.cloned.1.call-start
scs
__scs_entry_jumppad:
0x0: {  	(pc) =	sbr.rel $0x88, $3  }
0x1: {  	(tag) =	ssettag $0x0;
	lr =	simm.s32 $0x1  }
0x2: {  	[smem:$0x3F94] =	sst lr;
	_ =	strace $0xD0000000  }
0x3: {  	_ = 	snop  }
0x4: {  	_ = 	snop  }
0x5: {  	_ = 	snop  }
0x6: {  	_ = 	snop  }
0x7: {  	_ = 	snop  }
__scs_overlays_trampoline_lowered:
0x8: {  	[smem:$0x3FA3] =	sst s0  }
0x9: {  	[smem:$0x3FA4] =	sst s1  }
0xa: {  	[smem:$0x3FA5] =	sst s2  }
0xb: {  	[smem:$0x3FA6] =	sst s3  }
0xc: {  	[smem:$0x3FA7] =	sst s4  }
0xd: {  	[smem:$0x3FA8] =	sst s5  }
0xe: {  	[smem:$0x3FA9] =	sst s6  }
0xf: {  	[smem:$0x3FAA] =	sst s7  }
0x10: {  	[smem:$0x3FAB] =	sst s8  }
0x11: {  	[smem:$0x3FAC] =	sst s9;
	s0 =	simm.s32 @!p0 $0x0  }
0x12: {  	s1 =	sld [smem:$0x3F92];
	s0 =	simm.s32 @p0 $0x1  }
0x13: {  	[smem:$0x3FAD] =	sst s0;
	s0 =	simm.s32 @!p1 $0x0  }
0x14: {  	s2 =	sld [smem:$0x3F91];
	s0 =	simm.s32 @p1 $0x1  }
0x15: {  	[smem:$0x3FAE] =	sst s0;
	s0 =	simm.s32 @!p2 $0x0  }
0x16: {  	s3 =	sld [smem:$0x3FDB];
	s0 =	simm.s32 @p2 $0x1  }
0x17: {  	s4 =	simm.s32 $0x1BF5;
	[smem:$0x3FB0] =	sst s0  }
0x18: {  	s0 =	sld [smem:$0x3F93];
	_ =	swait.ge [sflag:s4], $0x0  }
0x19: {  	s7 =	sld [smem:$0x3F94]  }
0x1a: {  	s8 =	sadd.s32 $0xFFFFE003, lr  }
0x1b: {  	s9 =	sadd.s32 $0xFFFFFEF7, lr;
	s5 =	simm.s32 $0xFFFFFFFF;
	p2 =	slt.u32 s8, $0xFFFFF086  }
0x1c: {  	p1 =	slt.u32 s9, $0xF7A;
	s5 =	simm.s32 @!p2 $0x0  }
0x1d: {  	s5 =	simm.s32 @p1 $0x1;
	p0 =	seq.s32 s7, s2  }
0x1e: {  	s7 =	smul.u32 @!p0 $0xF7A, s2;
	p2 =	seq.s32 @!p0 s5, $0x0  }
0x1f: {  	s9 =	smul.u32 $0xF7A, s1;
	s8 =	simm.s32 @!p0 $0x1BF5;
	p2 =	por !p2, p0  }
0x20: {  	[sflag:s8] =	ssyncset.s32 @!p0 $0xFFFFF086;
	s6 =	sadd.s32 @!p0 s3, s7;
	s7 =	simm.s32 @!p0 $0x108  }
0x21: {  	s3 =	sadd.s32 s3, s9;
	s6 =	sadd.s32 @!p0 $0x88, s6;
	s7 =	simm.s32 @p2 $0x1082  }
0x22: {  	[simem:s7], [sflag:s8] =	dma.local @!p0 [hbm:s6], $0xF7A  }
0x23: {  	s9 =	sor.u32 $0xD0000000, s2;
	s6 =	simm.s32 $0x108;
	_ =	swait.ge @!p0 [sflag:s8], $0x0  }
0x24: {  	s3 =	sadd.s32 $0x88, s3;
	s6 =	simm.s32 @!p1 $0x1082;
	[sflag:s4] =	ssyncset.s32 $0xFFFFF086  }
0x25: {  	[simem:s6], [sflag:s4] =	dma.local [hbm:s3], $0xF7A  }
0x26: {  	[smem:$0x3F94] =	sst s1;
	(tag) =	ssettag s2;
	_ =	strace s9  }
0x27: {  	s1 =	sld [smem:$0x3FA4]  }
0x28: {  	s2 =	sld [smem:$0x3FA5]  }
0x29: {  	s4 =	sld [smem:$0x3FA7]  }
0x2a: {  	p0 =	seq.s32 s5, $0x0;
	s5 =	sld [smem:$0x3FA8]  }
0x2b: {  	s6 =	sld [smem:$0x3FA9]  }
0x2c: {  	s7 =	sld [smem:$0x3FAA]  }
0x2d: {  	s3 =	simm.s32 $0x108;
	s8 =	sld [smem:$0x3FAB]  }
0x2e: {  	s3 =	simm.s32 @!p0 $0x1082;
	s9 =	sld [smem:$0x3FAC]  }
0x2f: {  	lr =	sadd.s32 s0, s3;
	s0 =	sld [smem:$0x3FA3]  }
0x30: {  	s3 =	sld [smem:$0x3FA6]  }
0x31: {  	[smem:$0x3FAF] =	sst s10  }
0x32: {  	s10 =	sld [smem:$0x3FAD];
	_ =	sdelay $0x3  }
0x33: {  	p0 =	seq.s32 s10, $0x1;
	s10 =	sld [smem:$0x3FAF];
	_ =	sdelay $0x3  }
0x34: {  	[smem:$0x3FAF] =	sst s10  }
0x35: {  	s10 =	sld [smem:$0x3FAE];
	_ =	sdelay $0x3  }
0x36: {  	p1 =	seq.s32 s10, $0x1;
	s10 =	sld [smem:$0x3FAF];
	_ =	sdelay $0x3  }
0x37: {  	[smem:$0x3FAF] =	sst s10  }
0x38: {  	s10 =	sld [smem:$0x3FB0]  }
0x39: {  	_ = 	snop;
	(pc) =	sbr.ind lr, $3  }
0x3a: {  	_ = 	snop  }
0x3b: {  	_ = 	snop  }
0x3c: {  	p2 =	seq.s32 s10, $0x1;
	s10 =	sld [smem:$0x3FAF]  }
0x3d: {  	_ =	shalt  }
0x3e: {  	_ =	shalt  }
0x3f: {  	_ =	shalt  }
0x40: {  	_ =	shalt  }
0x41: {  	_ =	shalt  }
0x42: {  	_ =	shalt  }
0x43: {  	_ =	shalt  }
0x44: {  	_ =	shalt  }
0x45: {  	_ =	shalt  }
0x46: {  	_ =	shalt  }
0x47: {  	_ =	shalt  }
0x48: {  	_ =	shalt  }
0x49: {  	_ =	shalt  }
0x4a: {  	_ =	shalt  }
0x4b: {  	_ =	shalt  }
0x4c: {  	_ =	shalt  }
0x4d: {  	_ =	shalt  }
0x4e: {  	_ =	shalt  }
0x4f: {  	_ =	shalt  }
0x50: {  	_ =	shalt  }
0x51: {  	_ =	shalt  }
0x52: {  	_ =	shalt  }
0x53: {  	_ =	shalt  }
0x54: {  	_ =	shalt  }
0x55: {  	_ =	shalt  }
0x56: {  	_ =	shalt  }
0x57: {  	_ =	shalt  }
0x58: {  	_ =	shalt  }
0x59: {  	_ =	shalt  }
0x5a: {  	_ =	shalt  }
0x5b: {  	_ =	shalt  }
0x5c: {  	_ =	shalt  }
0x5d: {  	_ =	shalt  }
0x5e: {  	_ =	shalt  }
0x5f: {  	_ =	shalt  }
0x60: {  	_ =	shalt  }
0x61: {  	_ =	shalt  }
0x62: {  	_ =	shalt  }
0x63: {  	_ =	shalt  }
0x64: {  	_ =	shalt  }
0x65: {  	_ =	shalt  }
0x66: {  	_ =	shalt  }
0x67: {  	_ =	shalt  }
0x68: {  	_ =	shalt  }
0x69: {  	_ =	shalt  }
0x6a: {  	_ =	shalt  }
0x6b: {  	_ =	shalt  }
0x6c: {  	_ =	shalt  }
0x6d: {  	_ =	shalt  }
0x6e: {  	_ =	shalt  }
0x6f: {  	_ =	shalt  }
0x70: {  	_ =	shalt  }
0x71: {  	_ =	shalt  }
0x72: {  	_ =	shalt  }
0x73: {  	_ =	shalt  }
0x74: {  	_ =	shalt  }
0x75: {  	_ =	shalt  }
0x76: {  	_ =	shalt  }
0x77: {  	_ =	shalt  }
0x78: {  	_ =	shalt  }
0x79: {  	_ =	shalt  }
0x7a: {  	_ =	shalt  }
0x7b: {  	_ =	shalt  }
0x7c: {  	_ =	shalt  }
0x7d: {  	_ =	shalt  }
0x7e: {  	_ =	shalt  }
0x7f: {  	_ =	shalt  }
0x80: {  	_ =	shalt  }
0x81: {  	_ =	shalt  }
0x82: {  	_ =	shalt  }
0x83: {  	_ =	shalt  }
0x84: {  	_ =	shalt  }
0x85: {  	_ =	shalt  }
0x86: {  	_ =	shalt  }
0x87: {  	_ =	shalt  }
.Lfunc_end0:
.L_simem_size_0:
called_computation_lowered:
.L_overlay_start_0:
0x88: {  	s2 =	sld [smem:$0x3FD9]  }
0x89: {  	s3 =	sld [smem:$0x3FFE];
	_ =	sdelay $0x1  }
0x8a: {  	s1 =	srdreg.scid  }
0x8b: {  	s0 =	sand.u32 $0x1, s1  }
0x8c: {  	s17 =	sshll.u32 s0, $0xA;
	s2 =	sadd.s32 s3, s2  }
0x8d: {  	s2 =	sadd.s32 s2, s17  }
0x8e: {  	[smem:$0x3FBB] =	sst s2  }
0x8f: {  	_ = 	snop  }
0x90: {  	s2 =	sld [smem:$0x3FC8]  }
0x91: {  	s18 =	sld [smem:$0x3FC7];
	(tm) =	ssettm $0x1  }
0x92: {  	s4 =	sld [smem:$0x3FFB];
	_ =	sdelay $0x3  }
0x93: {  	_ =	strace s4  }
0x94: {  	s4 =	sld [smem:$0x3FFC];
	_ =	sdelay $0x3  }
0x95: {  	_ =	strace s4  }
0x96: {  	s4 =	sld [smem:$0x3FFD];
	_ =	sdelay $0x3  }
0x97: {  	_ =	strace s4  }
0x98: {  	_ =	strace $0x8FFFFFFF  }
0x99: {  	s19 =	sld [smem:$0x3FDB];
	_ =	sdelay $0x1  }
0x9a: {  	s5 =	simm.s32 $_scs_section_size  }
0x9b: {  	s6 =	simm.s32 $_size__tile_overlayer_lowered;
	s7 =	simm.s32 $_tile_overlayer_lowered  }
0x9c: {  	s22 =	simm.s32 $0x1BFF;
	s21 =	sshll.u32 s7, $0x1;
	s4 =	sadd.s32 s5, s19  }
0x9d: {  	s8 =	simm.s32 $0x0;
	s20 =	sshll.u32 s6, $0x1;
	s6 =	sadd.s32 s21, s4  }
0x9e: {  	[timem:s8], [sflag:s22] =	dma.local [hbm:s6], s20  }
0x9f: {  	_ =	swait.ge [sflag:s22], s20  }
0xa0: {  	s5 =	ssub.s32 $0x0, s20;
	[sflag:s22] =	ssyncset.done $0x0  }
0xa1: {  	[sflag:s22] =	ssyncadd.s32 s5;
	_ =	sdelay $0x1  }
0xa2: {  	s23 =	simm.s32 $0x1B8B  }
0xa3: {  	_ =	swait.ge [sflag:s23], $0x1  }
0xa4: {  	[sflag:s23] =	ssyncset.done $0x0  }
0xa5: {  	s25 =	simm.s32 $0x1B8E;
	s24 =	sld [smem:$0x3FFE];
	[sflag:s23] =	ssyncadd.s32 $0xFFFFFFFF  }
0xa6: {  	s26 =	simm.s32 $execute0_lowered;
	[smem:$0x3FD2] =	sst s25  }
0xa7: {  	s6 =	sshll.u32 s26, $0x1;
	_ =	strace $0x80000046;
	[dreg:$0x1] =	wrdreg $0xFFFFFFFF  }
0xa8: {  	s28 =	simm.s32 $_size_execute0_lowered;
	s4 =	sadd.s32 s4, s6;
	[dreg:$0x0] =	wrdreg $0x0  }
0xa9: {  	s6 =	sshll.u32 s28, $0x1;
	[dreg:$0x2] =	wrdreg s4  }
0xaa: {  	[dreg:$0x3] =	wrdreg s6  }
0xab: {  	[dreg:$0x4] =	wrdreg $0xC0  }
0xac: {  	_ =	task [dreg:s8], $0x5FFFF  }
0xad: {  	[dreg:$0x1] =	wrdreg $0xFFFFFFFF  }
0xae: {  	[dreg:$0x0] =	wrdreg $0x60  }
0xaf: {  	[dreg:$0x2] =	wrdreg s18  }
0xb0: {  	[dreg:$0x3] =	wrdreg s2  }
0xb1: {  	[dreg:$0x4] =	wrdreg s24  }
0xb2: {  	[dreg:$0x5] =	wrdreg $0x9  }
0xb3: {  	_ =	task.clear_ibuf [dreg:s8], $0x6FFFF;
	_ =	strace $0x90000046  }
0xb4: {  	s29 =	simm.s32 $0x9;
	_ =	strace $0x80000048  }
0xb5: {  	_ =	swait.ge [sflag:s29], $0x1  }
0xb6: {  	[sflag:s29] =	ssyncadd.s32 $0xFFFFFFFF  }
0xb7: {  	_ =	strace $0x90000048  }
0xb8: {  	_ =	sfence  }
0xb9: {  	s30 =	sld [smem:$0x0];
	_ =	sdelay $0x2  }
0xba: {  	s31 =	sshll.u32 s1, $0xD;
	s1 =	sshrl.u32 s1, $0x2  }
0xbb: {  	s3 =	sand.u32 $0x4000, s31;
	s1 =	sadd.s32 s1, s30  }
0xbc: {  	s0 =	sor.u32 s3, s0;
	s1 =	sshll.u32 s1, $0x11  }
0xbd: {  	s0 =	sor.u32 s1, s0  }
0xbe: {  	s0 =	sadd.s32 $0x8F2B, s0  }
0xbf: {  	[sflag:s0] =	ssyncadd.remote.s32 $0x1  }
0xc0: {  	_ =	sfence.sel $0xFFFF  }
0xc1: {  	[dreg:$0x0] =	wrdreg $0xFFFFFFFF;
	(pc) =	sbr.abs _section_cstart, $3  }
0xc2: {  	[dreg:$0x1] =	wrdreg $0xFFFFFFFF  }
0xc3: {  	_ =	task.clear_ibuf [dreg:s8], $0x2FFFF;
	_ =	strace $0x9FFFFFFF  }
0xc4: {  	(tm) =	ssettm $0x7FFFFFFF  }
0xc5: {  	_ =	shalt  }
tec
execute0_lowered:
.L_overlay_start_1:
0x0: {  	(tag) =	ssettag $0x1  }
0x1: {  	s1 =	rddreg [dreg:$0x0]  }
0x2: {  	s2 =	rddreg [dreg:$0x1]  }
0x3: {  	s10 =	rddreg [dreg:$0x2]  }
0x4: {  	s0 =	rddreg [dreg:$0x3]  }
0x5: {  	s4 =	simm.s32 $0x0;
	s5 =	srdreg.scid;
	s3 =	stileid.u32  }
0x6: {  	s12 =	simm.s32 $0x80;
	s13 =	simm.s32 $0x400;
	s14 =	simm.s32 $0x18700  }
0x7: {  	s15 =	simm.s32 $0x2;
	s16 =	simm.s32 $0x1;
	s17 =	simm.s32 $0x1C700  }
0x8: {  	s18 =	simm.s32 $0x1D700;
	s19 =	simm.s32 $0x3;
	s20 =	simm.s32 $0x0  }
0x9: {  	[smem:$0x7FF] =	sst s4;
	s6 =	sand.u32 $0x1, s5;
	s5 =	sshll.u32 s3, $0x1  }
0xa: {  	_ =	strace $0x80000047;
	s7 =	ssub.s32 $0x2, s6;
	s8 =	sor.u32 s6, s5  }
0xb: {  	s6 =	sadd.s32 $0x1A00, s10;
	s9 =	sshrl.u32 s7, $0x1;
	s8 =	sshll.u32 s8, $0x7  }
0xc: {  	s11 =	ssub.s32 s7, s9;
	s7 =	sand.u32 $0x380, s8;
	s8 =	sadd.s32 $0x2A00, s10  }
0xd: {  	s9 =	sadd.s32 $0x3A00, s10;
	s10 =	sadd.s32 $0x4A00, s10;
	s11 =	smax.u32 s11, $0x1  }
.LBB2_1:
0xe: {  	s21 =	simm.s32 $0x0  }
.LBB2_2:
0xf: {  	s22 =	sshll.u32 s21, $0x5  }
0x10: {  	s22 =	sor.u32 s5, s22  }
0x11: {  	s22 =	sshrl.u32 s22, $0x3  }
0x12: {  	s23 =	smul.u32 $0xC3800, s22;
	_ =	sdelay $0x1  }
0x13: {  	s23 =	sor.u32 s7, s23  }
0x14: {  	s23 =	sshrl.u32 s23, $0x3  }
0x15: {  	s30 =	sshll.u32 s21, $0x4;
	s23 =	sadd.s32 s1, s23  }
0x16: {  	[tilespmem:s4], [sflag:$0x1] =	stream.strided.gather [hbm4b:s23+s12], $0x18700, s13, s12, $0x38;
	[tilespmem:$0x1E700] =	vst v63  }
0x17: {  	s24 =	sshll.u32 s21, $0xB;
	s23 =	sand.u32 $0x70, s30  }
0x18: {  	s24 =	sand.u32 $0xC000, s24;
	s23 =	sadd.s32 s2, s23  }
0x19: {  	s23 =	sadd.s32 s24, s23  }
0x1a: {  	[tilespmem:s14], [sflag:$0x2] =	stream.strided.gather [hbm4b:s23+s12], $0x4000, s13, s12, $0x38;
	[tilespmem:$0x1E700] =	vst v63  }
0x1b: {  	_ =	swait.ge [sflag:s15], $0x4000  }
0x1c: {  	[sflag:s15] =	ssyncset.done $0x0  }
0x1d: {  	[sflag:s15] =	ssyncadd.s32 $0xFFFFC000  }
0x1e: {  	_ =	swait.ge [sflag:s16], $0x18700  }
0x1f: {  	[sflag:s16] =	ssyncset.done $0x0  }
0x20: {  	s31 =	simm.s32 $0x18740;
	[sflag:s16] =	ssyncadd.s32 $0xFFFE7900  }
0x21: {  	v0 =	vld [tilespmem:s31+$0x30]  }
0x22: {  	v1 =	vld [tilespmem:s31+$0xFFFFFFD0]  }
0x23: {  	v2 =	vld [tilespmem:s31+$0xFFFFFFE0]  }
0x24: {  	v3 =	vld [tilespmem:s31+$0xFFFFFFF0]  }
0x25: {  	v6 =	vld [tilespmem:s31+$0x0]  }
0x26: {  	v7 =	vld [tilespmem:s31+$0x10]  }
0x27: {  	v8 =	vld [tilespmem:s31+$0x20]  }
0x28: {  	v9 =	vld [tilespmem:s31+$0xFFFFFFC0]  }
0x29: {  	v10 =	vld.idx.msk [tilespmem:v0+s4+$0x0], $0xffff  }
0x2a: {  	v11 =	vld.idx.msk [tilespmem:v1+s4+$0x0], $0xffff  }
0x2b: {  	v5 =	vld.idx.msk [tilespmem:v2+s4+$0x0], $0xffff  }
0x2c: {  	v4 =	vld.idx.msk [tilespmem:v3+s4+$0x0], $0xffff  }
0x2d: {  	v3 =	vld.idx.msk [tilespmem:v6+s4+$0x0], $0xffff  }
0x2e: {  	s23 =	simm.s32 $0x1C740;
	v1 =	vld.idx.msk [tilespmem:v7+s4+$0x0], $0xffff  }
0x2f: {  	v0 =	vld.idx.msk [tilespmem:v8+s4+$0x0], $0xffff;
	[tilespmem:s23+$0x30] =	vst v10  }
0x30: {  	s25 =	simm.s32 $0x187C0;
	s24 =	simm.s32 $0x0;
	v2 =	vld.idx.msk [tilespmem:v9+s4+$0x0], $0xffff;
	[tilespmem:s23+$0xFFFFFFD0] =	vst v11  }
.LBB2_3:
0x31: {  	v6 =	vld [tilespmem:s25+$0x30];
	s24 =	sadd.s32 $0x80, s24;
	[tilespmem:s23+$0xFFFFFFE0] =	vst v5  }
0x32: {  	v5 =	vld [tilespmem:s25+$0xFFFFFFD0];
	p0 =	slt.u32 s24, $0xF80;
	[tilespmem:s23+$0xFFFFFFF0] =	vst v4  }
0x33: {  	v4 =	vld [tilespmem:s25+$0xFFFFFFE0];
	[tilespmem:s23+$0x0] =	vst v3  }
0x34: {  	v3 =	vld [tilespmem:s25+$0xFFFFFFF0];
	[tilespmem:s23+$0x10] =	vst v1  }
0x35: {  	v1 =	vld [tilespmem:s25+$0x0];
	[tilespmem:s23+$0x20] =	vst v0  }
0x36: {  	v0 =	vld [tilespmem:s25+$0x10];
	[tilespmem:s23+$0xFFFFFFC0] =	vst v2  }
0x37: {  	v2 =	vld [tilespmem:s25+$0x20]  }
0x38: {  	v7 =	vld [tilespmem:s25+$0xFFFFFFC0]  }
0x39: {  	v6 =	vld.idx.msk [tilespmem:v6+s4+$0x0], $0xffff  }
0x3a: {  	v8 =	vld.idx.msk [tilespmem:v5+s4+$0x0], $0xffff  }
0x3b: {  	v5 =	vld.idx.msk [tilespmem:v4+s4+$0x0], $0xffff  }
.Ltmp0:
0x3c: {  	v4 =	vld.idx.msk [tilespmem:v3+s4+$0x0], $0xffff;
	(pc) =	sbr.rel @p0 .LBB2_3-.Ltmp0, $4  }
0x3d: {  	v3 =	vld.idx.msk [tilespmem:v1+s4+$0x0], $0xffff  }
0x3e: {  	s23 =	sadd.s32 $0x80, s23;
	v1 =	vld.idx.msk [tilespmem:v0+s4+$0x0], $0xffff  }
0x3f: {  	v0 =	vld.idx.msk [tilespmem:v2+s4+$0x0], $0xffff;
	[tilespmem:s23+$0x30] =	vst v6  }
0x40: {  	s25 =	sadd.s32 $0x80, s25;
	v2 =	vld.idx.msk [tilespmem:v7+s4+$0x0], $0xffff;
	[tilespmem:s23+$0xFFFFFFD0] =	vst v8  }
0x41: {  	[tilespmem:s23+$0xFFFFFFE0] =	vst v5  }
0x42: {  	[tilespmem:s23+$0xFFFFFFF0] =	vst v4  }
0x43: {  	s22 =	sshll.u32 s22, $0x11;
	[tilespmem:s23+$0x0] =	vst v3  }
0x44: {  	s22 =	sor.u32 s7, s22;
	[tilespmem:s23+$0x10] =	vst v1  }
0x45: {  	s22 =	sshrl.u32 s22, $0x3;
	[tilespmem:s23+$0x20] =	vst v0  }
0x46: {  	s31 =	simm.s32 $0x19770;
	s30 =	sadd.s32 s6, s22;
	[tilespmem:s23+$0xFFFFFFC0] =	vst v2  }
0x47: {  	[hbm4b:s30+s12] =	stream.strided.scatter [tilespmem:s17], [sflag:$0x3], $0x1000, s13, s12, $0x38;
	[tilespmem:$0x1E700] =	vst v63  }
0x48: {  	v0 =	vld [tilespmem:s31+$0x0]  }
0x49: {  	v1 =	vld [tilespmem:s31+$0xFFFFFFA0]  }
0x4a: {  	v2 =	vld [tilespmem:s31+$0xFFFFFFB0]  }
0x4b: {  	v3 =	vld [tilespmem:s31+$0xFFFFFFC0]  }
0x4c: {  	v4 =	vld [tilespmem:s31+$0xFFFFFFD0]  }
0x4d: {  	v6 =	vld [tilespmem:s31+$0xFFFFFFE0]  }
0x4e: {  	v7 =	vld [tilespmem:s31+$0xFFFFFFF0]  }
0x4f: {  	v8 =	vld [tilespmem:s31+$0xFFFFFF90]  }
0x50: {  	v9 =	vld.idx.msk [tilespmem:v0+s4+$0x0], $0xffff  }
0x51: {  	v10 =	vld.idx.msk [tilespmem:v1+s4+$0x0], $0xffff  }
0x52: {  	v5 =	vld.idx.msk [tilespmem:v2+s4+$0x0], $0xffff  }
0x53: {  	v3 =	vld.idx.msk [tilespmem:v3+s4+$0x0], $0xffff  }
0x54: {  	v0 =	vld.idx.msk [tilespmem:v4+s4+$0x0], $0xffff  }
0x55: {  	s23 =	simm.s32 $0x1D740;
	v1 =	vld.idx.msk [tilespmem:v6+s4+$0x0], $0xffff  }
0x56: {  	v2 =	vld.idx.msk [tilespmem:v7+s4+$0x0], $0xffff;
	[tilespmem:s23+$0x30] =	vst v9  }
0x57: {  	s24 =	simm.s32 $0x0;
	s25 =	simm.s32 $0x197F0;
	v4 =	vld.idx.msk [tilespmem:v8+s4+$0x0], $0xffff;
	[tilespmem:s23+$0xFFFFFFD0] =	vst v10  }
.LBB2_5:
0x58: {  	v6 =	vld [tilespmem:s25+$0x0];
	s24 =	sadd.s32 $0x80, s24;
	[tilespmem:s23+$0xFFFFFFE0] =	vst v5  }
0x59: {  	v5 =	vld [tilespmem:s25+$0xFFFFFFA0];
	p0 =	slt.u32 s24, $0xF80;
	[tilespmem:s23+$0xFFFFFFF0] =	vst v3  }
0x5a: {  	v3 =	vld [tilespmem:s25+$0xFFFFFFB0];
	[tilespmem:s23+$0x0] =	vst v0  }
0x5b: {  	v0 =	vld [tilespmem:s25+$0xFFFFFFC0];
	[tilespmem:s23+$0x10] =	vst v1  }
0x5c: {  	v1 =	vld [tilespmem:s25+$0xFFFFFFD0];
	[tilespmem:s23+$0x20] =	vst v2  }
0x5d: {  	v2 =	vld [tilespmem:s25+$0xFFFFFFE0];
	[tilespmem:s23+$0xFFFFFFC0] =	vst v4  }
0x5e: {  	v4 =	vld [tilespmem:s25+$0xFFFFFFF0]  }
0x5f: {  	v7 =	vld [tilespmem:s25+$0xFFFFFF90]  }
0x60: {  	v6 =	vld.idx.msk [tilespmem:v6+s4+$0x0], $0xffff  }
0x61: {  	v8 =	vld.idx.msk [tilespmem:v5+s4+$0x0], $0xffff  }
0x62: {  	v5 =	vld.idx.msk [tilespmem:v3+s4+$0x0], $0xffff  }
.Ltmp1:
0x63: {  	v3 =	vld.idx.msk [tilespmem:v0+s4+$0x0], $0xffff;
	(pc) =	sbr.rel @p0 .LBB2_5-.Ltmp1, $4  }
0x64: {  	v0 =	vld.idx.msk [tilespmem:v1+s4+$0x0], $0xffff  }
0x65: {  	s23 =	sadd.s32 $0x80, s23;
	v1 =	vld.idx.msk [tilespmem:v2+s4+$0x0], $0xffff  }
0x66: {  	v2 =	vld.idx.msk [tilespmem:v4+s4+$0x0], $0xffff;
	[tilespmem:s23+$0x30] =	vst v6  }
0x67: {  	s25 =	sadd.s32 $0x80, s25;
	v4 =	vld.idx.msk [tilespmem:v7+s4+$0x0], $0xffff;
	[tilespmem:s23+$0xFFFFFFD0] =	vst v8  }
0x68: {  	[tilespmem:s23+$0xFFFFFFE0] =	vst v5  }
0x69: {  	[tilespmem:s23+$0xFFFFFFF0] =	vst v3  }
0x6a: {  	[tilespmem:s23+$0x0] =	vst v0  }
0x6b: {  	[tilespmem:s23+$0x10] =	vst v1  }
0x6c: {  	[tilespmem:s23+$0x20] =	vst v2  }
0x6d: {  	s30 =	sadd.s32 s22, s8;
	[tilespmem:s23+$0xFFFFFFC0] =	vst v4  }
0x6e: {  	[hbm4b:s30+s12] =	stream.strided.scatter [tilespmem:s18], [sflag:$0x3], $0x1000, s13, s12, $0x38;
	[tilespmem:$0x1E700] =	vst v63  }
0x6f: {  	_ =	swait.ge [sflag:s19], $0x1000  }
0x70: {  	[sflag:s19] =	ssyncset.done $0x0  }
0x71: {  	s31 =	simm.s32 $0x1A770;
	[sflag:s19] =	ssyncadd.s32 $0xFFFFF000  }
0x72: {  	v0 =	vld [tilespmem:s31+$0x0]  }
0x73: {  	v1 =	vld [tilespmem:s31+$0xFFFFFFA0]  }
0x74: {  	v2 =	vld [tilespmem:s31+$0xFFFFFFB0]  }
0x75: {  	v3 =	vld [tilespmem:s31+$0xFFFFFFC0]  }
0x76: {  	v4 =	vld [tilespmem:s31+$0xFFFFFFD0]  }
0x77: {  	v6 =	vld [tilespmem:s31+$0xFFFFFFE0]  }
0x78: {  	v7 =	vld [tilespmem:s31+$0xFFFFFFF0]  }
0x79: {  	v8 =	vld [tilespmem:s31+$0xFFFFFF90]  }
0x7a: {  	v9 =	vld.idx.msk [tilespmem:v0+s4+$0x0], $0xffff  }
0x7b: {  	v10 =	vld.idx.msk [tilespmem:v1+s4+$0x0], $0xffff  }
0x7c: {  	v5 =	vld.idx.msk [tilespmem:v2+s4+$0x0], $0xffff  }
0x7d: {  	v3 =	vld.idx.msk [tilespmem:v3+s4+$0x0], $0xffff  }
0x7e: {  	v0 =	vld.idx.msk [tilespmem:v4+s4+$0x0], $0xffff  }
0x7f: {  	s23 =	simm.s32 $0x1C740;
	v1 =	vld.idx.msk [tilespmem:v6+s4+$0x0], $0xffff  }
0x80: {  	v2 =	vld.idx.msk [tilespmem:v7+s4+$0x0], $0xffff;
	[tilespmem:s23+$0x30] =	vst v9  }
0x81: {  	s24 =	simm.s32 $0x0;
	s25 =	simm.s32 $0x1A7F0;
	v4 =	vld.idx.msk [tilespmem:v8+s4+$0x0], $0xffff;
	[tilespmem:s23+$0xFFFFFFD0] =	vst v10  }
.LBB2_7:
0x82: {  	v6 =	vld [tilespmem:s25+$0x0];
	s24 =	sadd.s32 $0x80, s24;
	[tilespmem:s23+$0xFFFFFFE0] =	vst v5  }
0x83: {  	v5 =	vld [tilespmem:s25+$0xFFFFFFA0];
	p0 =	slt.u32 s24, $0xF80;
	[tilespmem:s23+$0xFFFFFFF0] =	vst v3  }
0x84: {  	v3 =	vld [tilespmem:s25+$0xFFFFFFB0];
	[tilespmem:s23+$0x0] =	vst v0  }
0x85: {  	v0 =	vld [tilespmem:s25+$0xFFFFFFC0];
	[tilespmem:s23+$0x10] =	vst v1  }
0x86: {  	v1 =	vld [tilespmem:s25+$0xFFFFFFD0];
	[tilespmem:s23+$0x20] =	vst v2  }
0x87: {  	v2 =	vld [tilespmem:s25+$0xFFFFFFE0];
	[tilespmem:s23+$0xFFFFFFC0] =	vst v4  }
0x88: {  	v4 =	vld [tilespmem:s25+$0xFFFFFFF0]  }
0x89: {  	v7 =	vld [tilespmem:s25+$0xFFFFFF90]  }
0x8a: {  	v6 =	vld.idx.msk [tilespmem:v6+s4+$0x0], $0xffff  }
0x8b: {  	v8 =	vld.idx.msk [tilespmem:v5+s4+$0x0], $0xffff  }
0x8c: {  	v5 =	vld.idx.msk [tilespmem:v3+s4+$0x0], $0xffff  }
.Ltmp2:
0x8d: {  	v3 =	vld.idx.msk [tilespmem:v0+s4+$0x0], $0xffff;
	(pc) =	sbr.rel @p0 .LBB2_7-.Ltmp2, $4  }
0x8e: {  	v0 =	vld.idx.msk [tilespmem:v1+s4+$0x0], $0xffff  }
0x8f: {  	s23 =	sadd.s32 $0x80, s23;
	v1 =	vld.idx.msk [tilespmem:v2+s4+$0x0], $0xffff  }
0x90: {  	v2 =	vld.idx.msk [tilespmem:v4+s4+$0x0], $0xffff;
	[tilespmem:s23+$0x30] =	vst v6  }
0x91: {  	s25 =	sadd.s32 $0x80, s25;
	v4 =	vld.idx.msk [tilespmem:v7+s4+$0x0], $0xffff;
	[tilespmem:s23+$0xFFFFFFD0] =	vst v8  }
0x92: {  	[tilespmem:s23+$0xFFFFFFE0] =	vst v5  }
0x93: {  	[tilespmem:s23+$0xFFFFFFF0] =	vst v3  }
0x94: {  	[tilespmem:s23+$0x0] =	vst v0  }
0x95: {  	[tilespmem:s23+$0x10] =	vst v1  }
0x96: {  	[tilespmem:s23+$0x20] =	vst v2  }
0x97: {  	s30 =	sadd.s32 s22, s9;
	[tilespmem:s23+$0xFFFFFFC0] =	vst v4  }
0x98: {  	[hbm4b:s30+s12] =	stream.strided.scatter [tilespmem:s17], [sflag:$0x3], $0x1000, s13, s12, $0x38;
	[tilespmem:$0x1E700] =	vst v63  }
0x99: {  	_ =	swait.ge [sflag:s19], $0x1000  }
0x9a: {  	[sflag:s19] =	ssyncset.done $0x0  }
0x9b: {  	s31 =	simm.s32 $0x1B770;
	[sflag:s19] =	ssyncadd.s32 $0xFFFFF000  }
0x9c: {  	v0 =	vld [tilespmem:s31+$0x0]  }
0x9d: {  	v1 =	vld [tilespmem:s31+$0xFFFFFFA0]  }
0x9e: {  	v2 =	vld [tilespmem:s31+$0xFFFFFFB0]  }
0x9f: {  	v3 =	vld [tilespmem:s31+$0xFFFFFFC0]  }
0xa0: {  	v4 =	vld [tilespmem:s31+$0xFFFFFFD0]  }
0xa1: {  	v6 =	vld [tilespmem:s31+$0xFFFFFFE0]  }
0xa2: {  	v7 =	vld [tilespmem:s31+$0xFFFFFFF0]  }
0xa3: {  	v8 =	vld [tilespmem:s31+$0xFFFFFF90]  }
0xa4: {  	v9 =	vld.idx.msk [tilespmem:v0+s4+$0x0], $0xffff  }
0xa5: {  	v10 =	vld.idx.msk [tilespmem:v1+s4+$0x0], $0xffff  }
0xa6: {  	v5 =	vld.idx.msk [tilespmem:v2+s4+$0x0], $0xffff  }
0xa7: {  	v3 =	vld.idx.msk [tilespmem:v3+s4+$0x0], $0xffff  }
0xa8: {  	v0 =	vld.idx.msk [tilespmem:v4+s4+$0x0], $0xffff  }
0xa9: {  	s23 =	simm.s32 $0x1D740;
	v1 =	vld.idx.msk [tilespmem:v6+s4+$0x0], $0xffff  }
0xaa: {  	v2 =	vld.idx.msk [tilespmem:v7+s4+$0x0], $0xffff;
	[tilespmem:s23+$0x30] =	vst v9  }
0xab: {  	s24 =	simm.s32 $0x0;
	s25 =	simm.s32 $0x1B7F0;
	v4 =	vld.idx.msk [tilespmem:v8+s4+$0x0], $0xffff;
	[tilespmem:s23+$0xFFFFFFD0] =	vst v10  }
.LBB2_9:
0xac: {  	v6 =	vld [tilespmem:s25+$0x0];
	s24 =	sadd.s32 $0x80, s24;
	[tilespmem:s23+$0xFFFFFFE0] =	vst v5  }
0xad: {  	v5 =	vld [tilespmem:s25+$0xFFFFFFA0];
	p0 =	slt.u32 s24, $0xF80;
	[tilespmem:s23+$0xFFFFFFF0] =	vst v3  }
0xae: {  	v3 =	vld [tilespmem:s25+$0xFFFFFFB0];
	[tilespmem:s23+$0x0] =	vst v0  }
0xaf: {  	v0 =	vld [tilespmem:s25+$0xFFFFFFC0];
	[tilespmem:s23+$0x10] =	vst v1  }
0xb0: {  	v1 =	vld [tilespmem:s25+$0xFFFFFFD0];
	[tilespmem:s23+$0x20] =	vst v2  }
0xb1: {  	v2 =	vld [tilespmem:s25+$0xFFFFFFE0];
	[tilespmem:s23+$0xFFFFFFC0] =	vst v4  }
0xb2: {  	v4 =	vld [tilespmem:s25+$0xFFFFFFF0]  }
0xb3: {  	v7 =	vld [tilespmem:s25+$0xFFFFFF90]  }
0xb4: {  	v6 =	vld.idx.msk [tilespmem:v6+s4+$0x0], $0xffff  }
0xb5: {  	v8 =	vld.idx.msk [tilespmem:v5+s4+$0x0], $0xffff  }
0xb6: {  	v5 =	vld.idx.msk [tilespmem:v3+s4+$0x0], $0xffff  }
.Ltmp3:
0xb7: {  	v3 =	vld.idx.msk [tilespmem:v0+s4+$0x0], $0xffff;
	(pc) =	sbr.rel @p0 .LBB2_9-.Ltmp3, $4  }
0xb8: {  	v0 =	vld.idx.msk [tilespmem:v1+s4+$0x0], $0xffff  }
0xb9: {  	s23 =	sadd.s32 $0x80, s23;
	v1 =	vld.idx.msk [tilespmem:v2+s4+$0x0], $0xffff  }
0xba: {  	v2 =	vld.idx.msk [tilespmem:v4+s4+$0x0], $0xffff;
	[tilespmem:s23+$0x30] =	vst v6  }
0xbb: {  	s25 =	sadd.s32 $0x80, s25;
	v4 =	vld.idx.msk [tilespmem:v7+s4+$0x0], $0xffff;
	[tilespmem:s23+$0xFFFFFFD0] =	vst v8  }
0xbc: {  	[tilespmem:s23+$0xFFFFFFE0] =	vst v5  }
0xbd: {  	[tilespmem:s23+$0xFFFFFFF0] =	vst v3  }
0xbe: {  	[tilespmem:s23+$0x0] =	vst v0  }
0xbf: {  	[tilespmem:s23+$0x10] =	vst v1  }
0xc0: {  	[tilespmem:s23+$0x20] =	vst v2  }
0xc1: {  	s22 =	sadd.s32 s22, s10;
	s21 =	sadd.s32 $0x1, s21;
	[tilespmem:s23+$0xFFFFFFC0] =	vst v4  }
0xc2: {  	[hbm4b:s22+s12] =	stream.strided.scatter [tilespmem:s18], [sflag:$0x3], $0x1000, s13, s12, $0x38;
	[tilespmem:$0x1E700] =	vst v63  }
0xc3: {  	p0 =	sne.s32 s21, $0x1A;
	_ =	swait.ge [sflag:s19], $0x1000  }
.Ltmp4:
0xc4: {  	[sflag:s19] =	ssyncset.done $0x0;
	(pc) =	sbr.rel @p0 .LBB2_2-.Ltmp4, $4  }
0xc5: {  	[sflag:s19] =	ssyncadd.s32 $0xFFFFF000  }
0xc6: {  	_ =	swait.ge [sflag:s19], $0x1000  }
0xc7: {  	[sflag:s19] =	ssyncset.done $0x0  }
0xc8: {  	[sflag:s19] =	ssyncadd.s32 $0xFFFFF000  }
0xc9: {  	s20 =	sadd.s32 $0x1, s20  }
0xca: {  	p0 =	sne.s32 s20, s11  }
.Ltmp5:
0xcb: {  	_ = 	snop;
	(pc) =	sbr.rel @p0 .LBB2_1-.Ltmp5, $1  }
0xcc: {  	_ =	sdelay $0x3  }
0xcd: {  	_ =	sfence.sel $0x180000  }
0xce: {  	[bflag:$0x0] =	sbarrier.arrive $0xFFFF  }
0xcf: {  	p0 =	sne.s32 s3, $0x0;
	_ =	strace $0x90000047  }
0xd0: {  	s0 =	sadd.s32 @!p0 $0x100000, s0;
	[bflag:$0x2] =	sbarrier.arrive $0xFFFF  }
0xd1: {  	[sflag:s0] =	ssyncadd.tile.s32 @!p0 $0x1;
	_ =	shalt  }
.Lfunc_end2:
_tile_overlayer_lowered:
.L_overlay_start_2:
0xd2: {  	(tag) =	ssettag $0x2  }
0xd3: {  	s0 =	rddreg [dreg:$0x0];
	s2 =	stileid.u32  }
0xd4: {  	s1 =	rddreg [dreg:$0x1];
	p0 =	sne.s32 s2, $0x0  }
0xd5: {  	s3 =	rddreg [dreg:$0x2];
	[bflag:$0x3] =	sbarrier.arrive $0xFFFF;
	s2 =	simm.s32 @!p0 $0x1C04  }
0xd6: {  	[timem:s3], [sflag:s2] =	dma.local @!p0 [hbm:s0], s1  }
0xd7: {  	s0 =	simm.s32 @!p0 $0x4  }
0xd8: {  	_ =	swait.ge @!p0 [sflag:s0], s1  }
0xd9: {  	s1 =	ssub.s32 @!p0 $0x0, s1;
	[sflag:s0] =	ssyncset.done @!p0 $0x0  }
0xda: {  	[sflag:s0] =	ssyncadd.s32 @!p0 s1  }
0xdb: {  	[bflag:$0x3] =	sbarrier.arrive $0xFFFF  }
0xdc: {  	_ =	shalt  }

</sc_bundles>
